<compile_context>
chip_gen: v7x
topology: tpu7x:2x2x1
jax: 0.10.2.dev20260603
libtpu: 0.0.44.dev20260713+nightly
codegen_flags: <defaults>
</compile_context>

<pallas_src>
import jax
import jax.numpy as jnp
from jax import lax
from jax.experimental import pallas as pl
from jax.experimental.pallas import tpu as pltpu
from jax.experimental.pallas import tpu_sc as plsc

_NUM_ITEMS = 512
_BATCH = 16384
_DIM = 256
_OUT_ROWS = _NUM_ITEMS + _BATCH

_NC = 2
_NS = 16
_NW = _NC * _NS
_X_PER_W = _BATCH // _NW
_Q_PER_W = _NUM_ITEMS // _NW

_CHUNK = 128
_NCH = _X_PER_W // _CHUNK
_NBUF = 3


def _sc_copy(x_hbm, q_hbm, out_hbm, qv, b0, b1, b2, sq, *sems):
    wid = lax.axis_index("s") * _NC + lax.axis_index("c")
    qb = wid * _Q_PER_W
    xb = wid * _X_PER_W
    bufs = (b0, b1, b2)
    sin = sems[:_NBUF]
    sout = sems[_NBUF:]

    q_in = pltpu.make_async_copy(q_hbm.at[pl.ds(qb, _Q_PER_W)], qv, sq)
    q_in.start()

    gath = [None] * _NCH
    scat = [None] * _NCH
    gath[0] = pltpu.make_async_copy(
        x_hbm.at[pl.ds(xb, _CHUNK)], bufs[0], sin[0]
    )
    gath[0].start()

    q_in.wait()
    q_out = pltpu.make_async_copy(qv, out_hbm.at[pl.ds(qb, _Q_PER_W)], sq)
    q_out.start()

    for i in range(_NCH):
        if i + 1 < _NCH:
            nb = (i + 1) % _NBUF
            if i + 1 >= _NBUF:
                scat[i + 1 - _NBUF].wait()
            gath[i + 1] = pltpu.make_async_copy(
                x_hbm.at[pl.ds(xb + (i + 1) * _CHUNK, _CHUNK)], bufs[nb], sin[nb]
            )
            gath[i + 1].start()
        gath[i].wait()
        scat[i] = pltpu.make_async_copy(
            bufs[i % _NBUF],
            out_hbm.at[pl.ds(_NUM_ITEMS + xb + i * _CHUNK, _CHUNK)],
            sout[i % _NBUF],
        )
        scat[i].start()

    for i in range(max(0, _NCH - _NBUF), _NCH):
        scat[i].wait()
    q_out.wait()


def kernel(x, q):
    run = pl.kernel(
        _sc_copy,
        out_type=jax.ShapeDtypeStruct((_OUT_ROWS, _DIM), jnp.float32),
        mesh=plsc.VectorSubcoreMesh(core_axis_name="c", subcore_axis_name="s"),
        scratch_types=(
            [pltpu.VMEM((_Q_PER_W, _DIM), jnp.float32)]
            + [pltpu.VMEM((_CHUNK, _DIM), jnp.float32) for _ in range(_NBUF)]
            + [pltpu.SemaphoreType.DMA for _ in range(2 * _NBUF + 1)]
        ),
    )
    return run(x, q)

# --- scband reference (transcript-rebuilt; emitter-appended) ---
"""Pipeline reference for scband-memory-queue-11244224381196 (READ-ONLY COPY).

The authoritative reference and input builder live on the scoring server;
editing this copy changes nothing except your own understanding.
"""

import jax, jax.numpy as jnp
import numpy as np

NUM_ITEMS = 512  # module initializes self.num_items = 512
MEM_SIZE = 131072
DIM = 256
BATCH = 16384


def setup_inputs(seed: int = 0) -> dict:
    key = jax.random.key(seed)
    x = jax.random.normal(key, (BATCH, DIM), dtype=jnp.float32)
    # buffer q registered in __init__ as zeros(mem_size, dim)
    q = jnp.zeros((MEM_SIZE, DIM), dtype=jnp.float32)
    return {"x": x, "q": q}


def reference(x, q):
    # MemoryQueue.add(x) followed by get_all():
    # num_items + b <= max_size branch (512 + 16384 <= 131072),
    # so q[num_items:num_items+b] = x; num_items += b; return q[:num_items]
    b = x.shape[0]
    new_q = jax.lax.dynamic_update_slice(q, x, (NUM_ITEMS, 0))
    return new_q[: NUM_ITEMS + b]

if __name__ == "__main__":
    import jax
    _d = setup_inputs()
    print(jax.jit(kernel)(*tuple(_d.values())))

</pallas_src>

<mosaic_0001>
#map = affine_map<(d0, d1) -> (0, 0)>
module attributes {stable_mosaic.version = 14 : i64} {
  func.func @_sc_copy(%arg0: i32, %arg1: i32, %arg2: memref<16384x256xf32, #tpu.memory_space<hbm>>, %arg3: memref<131072x256xf32, #tpu.memory_space<hbm>>, %arg4: memref<16896x256xf32, #tpu.memory_space<hbm>>, %arg5: memref<16x256xf32, #tpu.memory_space<vmem>>, %arg6: memref<128x256xf32, #tpu.memory_space<vmem>>, %arg7: memref<128x256xf32, #tpu.memory_space<vmem>>, %arg8: memref<128x256xf32, #tpu.memory_space<vmem>>, %arg9: memref<!tpu.dma_semaphore, #tpu.memory_space<semaphore_mem>>, %arg10: memref<!tpu.dma_semaphore, #tpu.memory_space<semaphore_mem>>, %arg11: memref<!tpu.dma_semaphore, #tpu.memory_space<semaphore_mem>>, %arg12: memref<!tpu.dma_semaphore, #tpu.memory_space<semaphore_mem>>, %arg13: memref<!tpu.dma_semaphore, #tpu.memory_space<semaphore_mem>>, %arg14: memref<!tpu.dma_semaphore, #tpu.memory_space<semaphore_mem>>, %arg15: memref<!tpu.dma_semaphore, #tpu.memory_space<semaphore_mem>>) attributes {dimension_semantics = [#tpu.dimension_semantics<core_parallel>, #tpu.dimension_semantics<subcore_parallel>], iteration_bounds = array<i64: 2, 16>, scalar_prefetch = 0 : i64, scratch_operands = 11 : i64, tpu.core_type = #tpu.core_type<sc_vector_subcore>, window_params = [{transform_indices = #map}, {transform_indices = #map}, {transform_indices = #map}]} {
    %mul3A = arith.constant 2 : i32
    %mul3A_0 = arith.muli %arg1, %mul3A : i32
    %add3A = arith.addi %mul3A_0, %arg0 : i32
    %mul3A_1 = arith.constant 16 : i32
    %mul3A_2 = arith.muli %add3A, %mul3A_1 : i32
    %mul3A_3 = arith.constant 512 : i32
    %mul3A_4 = arith.muli %add3A, %mul3A_3 : i32
    %dma_start3A = arith.constant 0 : i32
    %dma_start3A_5 = tpu.memref_slice %arg3[%mul3A_2, %dma_start3A] : memref<131072x256xf32, #tpu.memory_space<hbm>> -> memref<16x256xf32, #tpu.memory_space<hbm>>
    %dma_start3A_6 = arith.constant 0 : i32
    %dma_start3A_7 = tpu.memref_slice %arg3[%mul3A_2, %dma_start3A_6] : memref<131072x256xf32, #tpu.memory_space<hbm>> -> memref<16x256xf32, #tpu.memory_space<hbm>>
    tpu.enqueue_dma source(%dma_start3A_7 : memref<16x256xf32, #tpu.memory_space<hbm>>) target(%arg5 : memref<16x256xf32, #tpu.memory_space<vmem>>) target_semaphore(%arg9 : memref<!tpu.dma_semaphore, #tpu.memory_space<semaphore_mem>>)
    %dma_start3A_8 = arith.constant 0 : i32
    %dma_start3A_9 = tpu.memref_slice %arg2[%mul3A_4, %dma_start3A_8] : memref<16384x256xf32, #tpu.memory_space<hbm>> -> memref<128x256xf32, #tpu.memory_space<hbm>>
    %dma_start3A_10 = arith.constant 0 : i32
    %dma_start3A_11 = tpu.memref_slice %arg2[%mul3A_4, %dma_start3A_10] : memref<16384x256xf32, #tpu.memory_space<hbm>> -> memref<128x256xf32, #tpu.memory_space<hbm>>
    tpu.enqueue_dma source(%dma_start3A_11 : memref<128x256xf32, #tpu.memory_space<hbm>>) target(%arg6 : memref<128x256xf32, #tpu.memory_space<vmem>>) target_semaphore(%arg10 : memref<!tpu.dma_semaphore, #tpu.memory_space<semaphore_mem>>)
    %dma_wait3A = arith.constant 0 : i32
    %dma_wait3A_12 = tpu.memref_slice %arg3[%mul3A_2, %dma_wait3A] : memref<131072x256xf32, #tpu.memory_space<hbm>> -> memref<16x256xf32, #tpu.memory_space<hbm>>
    %dma_wait3A_13 = arith.constant 0 : i32
    %dma_wait3A_14 = tpu.memref_slice %arg3[%mul3A_2, %dma_wait3A_13] : memref<131072x256xf32, #tpu.memory_space<hbm>> -> memref<16x256xf32, #tpu.memory_space<hbm>>
    tpu.wait_dma2 semaphore(%arg9 : memref<!tpu.dma_semaphore, #tpu.memory_space<semaphore_mem>>) src(%dma_wait3A_14 : memref<16x256xf32, #tpu.memory_space<hbm>>) dst(%arg5 : memref<16x256xf32, #tpu.memory_space<vmem>>)
    %dma_start3A_15 = arith.constant 0 : i32
    %dma_start3A_16 = tpu.memref_slice %arg4[%mul3A_2, %dma_start3A_15] : memref<16896x256xf32, #tpu.memory_space<hbm>> -> memref<16x256xf32, #tpu.memory_space<hbm>>
    %dma_start3A_17 = arith.constant 0 : i32
    %dma_start3A_18 = tpu.memref_slice %arg4[%mul3A_2, %dma_start3A_17] : memref<16896x256xf32, #tpu.memory_space<hbm>> -> memref<16x256xf32, #tpu.memory_space<hbm>>
    tpu.enqueue_dma source(%arg5 : memref<16x256xf32, #tpu.memory_space<vmem>>) target(%dma_start3A_18 : memref<16x256xf32, #tpu.memory_space<hbm>>) target_semaphore(%arg9 : memref<!tpu.dma_semaphore, #tpu.memory_space<semaphore_mem>>)
    %add3A_19 = arith.constant 128 : i32
    %add3A_20 = arith.addi %mul3A_4, %add3A_19 : i32
    %dma_start3A_21 = arith.constant 0 : i32
    %dma_start3A_22 = tpu.memref_slice %arg2[%add3A_20, %dma_start3A_21] : memref<16384x256xf32, #tpu.memory_space<hbm>> -> memref<128x256xf32, #tpu.memory_space<hbm>>
    %dma_start3A_23 = arith.constant 0 : i32
    %dma_start3A_24 = tpu.memref_slice %arg2[%add3A_20, %dma_start3A_23] : memref<16384x256xf32, #tpu.memory_space<hbm>> -> memref<128x256xf32, #tpu.memory_space<hbm>>
    tpu.enqueue_dma source(%dma_start3A_24 : memref<128x256xf32, #tpu.memory_space<hbm>>) target(%arg7 : memref<128x256xf32, #tpu.memory_space<vmem>>) target_semaphore(%arg11 : memref<!tpu.dma_semaphore, #tpu.memory_space<semaphore_mem>>)
    %dma_wait3A_25 = arith.constant 0 : i32
    %dma_wait3A_26 = tpu.memref_slice %arg2[%mul3A_4, %dma_wait3A_25] : memref<16384x256xf32, #tpu.memory_space<hbm>> -> memref<128x256xf32, #tpu.memory_space<hbm>>
    %dma_wait3A_27 = arith.constant 0 : i32
    %dma_wait3A_28 = tpu.memref_slice %arg2[%mul3A_4, %dma_wait3A_27] : memref<16384x256xf32, #tpu.memory_space<hbm>> -> memref<128x256xf32, #tpu.memory_space<hbm>>
    tpu.wait_dma2 semaphore(%arg10 : memref<!tpu.dma_semaphore, #tpu.memory_space<semaphore_mem>>) src(%dma_wait3A_28 : memref<128x256xf32, #tpu.memory_space<hbm>>) dst(%arg6 : memref<128x256xf32, #tpu.memory_space<vmem>>)
    %add3A_29 = arith.constant 512 : i32
    %add3A_30 = arith.addi %add3A_29, %mul3A_4 : i32
    %add3A_31 = arith.constant 0 : i32
    %add3A_32 = arith.addi %add3A_30, %add3A_31 : i32
    %dma_start3A_33 = arith.constant 0 : i32
    %dma_start3A_34 = tpu.memref_slice %arg4[%add3A_32, %dma_start3A_33] : memref<16896x256xf32, #tpu.memory_space<hbm>> -> memref<128x256xf32, #tpu.memory_space<hbm>>
    %dma_start3A_35 = arith.constant 0 : i32
    %dma_start3A_36 = tpu.memref_slice %arg4[%add3A_32, %dma_start3A_35] : memref<16896x256xf32, #tpu.memory_space<hbm>> -> memref<128x256xf32, #tpu.memory_space<hbm>>
    tpu.enqueue_dma source(%arg6 : memref<128x256xf32, #tpu.memory_space<vmem>>) target(%dma_start3A_36 : memref<128x256xf32, #tpu.memory_space<hbm>>) target_semaphore(%arg13 : memref<!tpu.dma_semaphore, #tpu.memory_space<semaphore_mem>>)
    %add3A_37 = arith.constant 256 : i32
    %add3A_38 = arith.addi %mul3A_4, %add3A_37 : i32
    %dma_start3A_39 = arith.constant 0 : i32
    %dma_start3A_40 = tpu.memref_slice %arg2[%add3A_38, %dma_start3A_39] : memref<16384x256xf32, #tpu.memory_space<hbm>> -> memref<128x256xf32, #tpu.memory_space<hbm>>
    %dma_start3A_41 = arith.constant 0 : i32
    %dma_start3A_42 = tpu.memref_slice %arg2[%add3A_38, %dma_start3A_41] : memref<16384x256xf32, #tpu.memory_space<hbm>> -> memref<128x256xf32, #tpu.memory_space<hbm>>
    tpu.enqueue_dma source(%dma_start3A_42 : memref<128x256xf32, #tpu.memory_space<hbm>>) target(%arg8 : memref<128x256xf32, #tpu.memory_space<vmem>>) target_semaphore(%arg12 : memref<!tpu.dma_semaphore, #tpu.memory_space<semaphore_mem>>)
    %dma_wait3A_43 = arith.constant 0 : i32
    %dma_wait3A_44 = tpu.memref_slice %arg2[%add3A_20, %dma_wait3A_43] : memref<16384x256xf32, #tpu.memory_space<hbm>> -> memref<128x256xf32, #tpu.memory_space<hbm>>
    %dma_wait3A_45 = arith.constant 0 : i32
    %dma_wait3A_46 = tpu.memref_slice %arg2[%add3A_20, %dma_wait3A_45] : memref<16384x256xf32, #tpu.memory_space<hbm>> -> memref<128x256xf32, #tpu.memory_space<hbm>>
    tpu.wait_dma2 semaphore(%arg11 : memref<!tpu.dma_semaphore, #tpu.memory_space<semaphore_mem>>) src(%dma_wait3A_46 : memref<128x256xf32, #tpu.memory_space<hbm>>) dst(%arg7 : memref<128x256xf32, #tpu.memory_space<vmem>>)
    %add3A_47 = arith.constant 512 : i32
    %add3A_48 = arith.addi %add3A_47, %mul3A_4 : i32
    %add3A_49 = arith.constant 128 : i32
    %add3A_50 = arith.addi %add3A_48, %add3A_49 : i32
    %dma_start3A_51 = arith.constant 0 : i32
    %dma_start3A_52 = tpu.memref_slice %arg4[%add3A_50, %dma_start3A_51] : memref<16896x256xf32, #tpu.memory_space<hbm>> -> memref<128x256xf32, #tpu.memory_space<hbm>>
    %dma_start3A_53 = arith.constant 0 : i32
    %dma_start3A_54 = tpu.memref_slice %arg4[%add3A_50, %dma_start3A_53] : memref<16896x256xf32, #tpu.memory_space<hbm>> -> memref<128x256xf32, #tpu.memory_space<hbm>>
    tpu.enqueue_dma source(%arg7 : memref<128x256xf32, #tpu.memory_space<vmem>>) target(%dma_start3A_54 : memref<128x256xf32, #tpu.memory_space<hbm>>) target_semaphore(%arg14 : memref<!tpu.dma_semaphore, #tpu.memory_space<semaphore_mem>>)
    %dma_wait3A_55 = arith.constant 0 : i32
    %dma_wait3A_56 = tpu.memref_slice %arg4[%add3A_32, %dma_wait3A_55] : memref<16896x256xf32, #tpu.memory_space<hbm>> -> memref<128x256xf32, #tpu.memory_space<hbm>>
    %dma_wait3A_57 = arith.constant 0 : i32
    %dma_wait3A_58 = tpu.memref_slice %arg4[%add3A_32, %dma_wait3A_57] : memref<16896x256xf32, #tpu.memory_space<hbm>> -> memref<128x256xf32, #tpu.memory_space<hbm>>
    tpu.wait_dma2 semaphore(%arg13 : memref<!tpu.dma_semaphore, #tpu.memory_space<semaphore_mem>>) src(%arg6 : memref<128x256xf32, #tpu.memory_space<vmem>>) dst(%dma_wait3A_58 : memref<128x256xf32, #tpu.memory_space<hbm>>)
    %add3A_59 = arith.constant 384 : i32
    %add3A_60 = arith.addi %mul3A_4, %add3A_59 : i32
    %dma_start3A_61 = arith.constant 0 : i32
    %dma_start3A_62 = tpu.memref_slice %arg2[%add3A_60, %dma_start3A_61] : memref<16384x256xf32, #tpu.memory_space<hbm>> -> memref<128x256xf32, #tpu.memory_space<hbm>>
    %dma_start3A_63 = arith.constant 0 : i32
    %dma_start3A_64 = tpu.memref_slice %arg2[%add3A_60, %dma_start3A_63] : memref<16384x256xf32, #tpu.memory_space<hbm>> -> memref<128x256xf32, #tpu.memory_space<hbm>>
    tpu.enqueue_dma source(%dma_start3A_64 : memref<128x256xf32, #tpu.memory_space<hbm>>) target(%arg6 : memref<128x256xf32, #tpu.memory_space<vmem>>) target_semaphore(%arg10 : memref<!tpu.dma_semaphore, #tpu.memory_space<semaphore_mem>>)
    %dma_wait3A_65 = arith.constant 0 : i32
    %dma_wait3A_66 = tpu.memref_slice %arg2[%add3A_38, %dma_wait3A_65] : memref<16384x256xf32, #tpu.memory_space<hbm>> -> memref<128x256xf32, #tpu.memory_space<hbm>>
    %dma_wait3A_67 = arith.constant 0 : i32
    %dma_wait3A_68 = tpu.memref_slice %arg2[%add3A_38, %dma_wait3A_67] : memref<16384x256xf32, #tpu.memory_space<hbm>> -> memref<128x256xf32, #tpu.memory_space<hbm>>
    tpu.wait_dma2 semaphore(%arg12 : memref<!tpu.dma_semaphore, #tpu.memory_space<semaphore_mem>>) src(%dma_wait3A_68 : memref<128x256xf32, #tpu.memory_space<hbm>>) dst(%arg8 : memref<128x256xf32, #tpu.memory_space<vmem>>)
    %add3A_69 = arith.constant 512 : i32
    %add3A_70 = arith.addi %add3A_69, %mul3A_4 : i32
    %add3A_71 = arith.constant 256 : i32
    %add3A_72 = arith.addi %add3A_70, %add3A_71 : i32
    %dma_start3A_73 = arith.constant 0 : i32
    %dma_start3A_74 = tpu.memref_slice %arg4[%add3A_72, %dma_start3A_73] : memref<16896x256xf32, #tpu.memory_space<hbm>> -> memref<128x256xf32, #tpu.memory_space<hbm>>
    %dma_start3A_75 = arith.constant 0 : i32
    %dma_start3A_76 = tpu.memref_slice %arg4[%add3A_72, %dma_start3A_75] : memref<16896x256xf32, #tpu.memory_space<hbm>> -> memref<128x256xf32, #tpu.memory_space<hbm>>
    tpu.enqueue_dma source(%arg8 : memref<128x256xf32, #tpu.memory_space<vmem>>) target(%dma_start3A_76 : memref<128x256xf32, #tpu.memory_space<hbm>>) target_semaphore(%arg15 : memref<!tpu.dma_semaphore, #tpu.memory_space<semaphore_mem>>)
    %dma_wait3A_77 = arith.constant 0 : i32
    %dma_wait3A_78 = tpu.memref_slice %arg2[%add3A_60, %dma_wait3A_77] : memref<16384x256xf32, #tpu.memory_space<hbm>> -> memref<128x256xf32, #tpu.memory_space<hbm>>
    %dma_wait3A_79 = arith.constant 0 : i32
    %dma_wait3A_80 = tpu.memref_slice %arg2[%add3A_60, %dma_wait3A_79] : memref<16384x256xf32, #tpu.memory_space<hbm>> -> memref<128x256xf32, #tpu.memory_space<hbm>>
    tpu.wait_dma2 semaphore(%arg10 : memref<!tpu.dma_semaphore, #tpu.memory_space<semaphore_mem>>) src(%dma_wait3A_80 : memref<128x256xf32, #tpu.memory_space<hbm>>) dst(%arg6 : memref<128x256xf32, #tpu.memory_space<vmem>>)
    %add3A_81 = arith.constant 512 : i32
    %add3A_82 = arith.addi %add3A_81, %mul3A_4 : i32
    %add3A_83 = arith.constant 384 : i32
    %add3A_84 = arith.addi %add3A_82, %add3A_83 : i32
    %dma_start3A_85 = arith.constant 0 : i32
    %dma_start3A_86 = tpu.memref_slice %arg4[%add3A_84, %dma_start3A_85] : memref<16896x256xf32, #tpu.memory_space<hbm>> -> memref<128x256xf32, #tpu.memory_space<hbm>>
    %dma_start3A_87 = arith.constant 0 : i32
    %dma_start3A_88 = tpu.memref_slice %arg4[%add3A_84, %dma_start3A_87] : memref<16896x256xf32, #tpu.memory_space<hbm>> -> memref<128x256xf32, #tpu.memory_space<hbm>>
    tpu.enqueue_dma source(%arg6 : memref<128x256xf32, #tpu.memory_space<vmem>>) target(%dma_start3A_88 : memref<128x256xf32, #tpu.memory_space<hbm>>) target_semaphore(%arg13 : memref<!tpu.dma_semaphore, #tpu.memory_space<semaphore_mem>>)
    %dma_wait3A_89 = arith.constant 0 : i32
    %dma_wait3A_90 = tpu.memref_slice %arg4[%add3A_50, %dma_wait3A_89] : memref<16896x256xf32, #tpu.memory_space<hbm>> -> memref<128x256xf32, #tpu.memory_space<hbm>>
    %dma_wait3A_91 = arith.constant 0 : i32
    %dma_wait3A_92 = tpu.memref_slice %arg4[%add3A_50, %dma_wait3A_91] : memref<16896x256xf32, #tpu.memory_space<hbm>> -> memref<128x256xf32, #tpu.memory_space<hbm>>
    tpu.wait_dma2 semaphore(%arg14 : memref<!tpu.dma_semaphore, #tpu.memory_space<semaphore_mem>>) src(%arg7 : memref<128x256xf32, #tpu.memory_space<vmem>>) dst(%dma_wait3A_92 : memref<128x256xf32, #tpu.memory_space<hbm>>)
    %dma_wait3A_93 = arith.constant 0 : i32
    %dma_wait3A_94 = tpu.memref_slice %arg4[%add3A_72, %dma_wait3A_93] : memref<16896x256xf32, #tpu.memory_space<hbm>> -> memref<128x256xf32, #tpu.memory_space<hbm>>
    %dma_wait3A_95 = arith.constant 0 : i32
    %dma_wait3A_96 = tpu.memref_slice %arg4[%add3A_72, %dma_wait3A_95] : memref<16896x256xf32, #tpu.memory_space<hbm>> -> memref<128x256xf32, #tpu.memory_space<hbm>>
    tpu.wait_dma2 semaphore(%arg15 : memref<!tpu.dma_semaphore, #tpu.memory_space<semaphore_mem>>) src(%arg8 : memref<128x256xf32, #tpu.memory_space<vmem>>) dst(%dma_wait3A_96 : memref<128x256xf32, #tpu.memory_space<hbm>>)
    %dma_wait3A_97 = arith.constant 0 : i32
    %dma_wait3A_98 = tpu.memref_slice %arg4[%add3A_84, %dma_wait3A_97] : memref<16896x256xf32, #tpu.memory_space<hbm>> -> memref<128x256xf32, #tpu.memory_space<hbm>>
    %dma_wait3A_99 = arith.constant 0 : i32
    %dma_wait3A_100 = tpu.memref_slice %arg4[%add3A_84, %dma_wait3A_99] : memref<16896x256xf32, #tpu.memory_space<hbm>> -> memref<128x256xf32, #tpu.memory_space<hbm>>
    tpu.wait_dma2 semaphore(%arg13 : memref<!tpu.dma_semaphore, #tpu.memory_space<semaphore_mem>>) src(%arg6 : memref<128x256xf32, #tpu.memory_space<vmem>>) dst(%dma_wait3A_100 : memref<128x256xf32, #tpu.memory_space<hbm>>)
    %dma_wait3A_101 = arith.constant 0 : i32
    %dma_wait3A_102 = tpu.memref_slice %arg4[%mul3A_2, %dma_wait3A_101] : memref<16896x256xf32, #tpu.memory_space<hbm>> -> memref<16x256xf32, #tpu.memory_space<hbm>>
    %dma_wait3A_103 = arith.constant 0 : i32
    %dma_wait3A_104 = tpu.memref_slice %arg4[%mul3A_2, %dma_wait3A_103] : memref<16896x256xf32, #tpu.memory_space<hbm>> -> memref<16x256xf32, #tpu.memory_space<hbm>>
    tpu.wait_dma2 semaphore(%arg9 : memref<!tpu.dma_semaphore, #tpu.memory_space<semaphore_mem>>) src(%arg5 : memref<16x256xf32, #tpu.memory_space<vmem>>) dst(%dma_wait3A_104 : memref<16x256xf32, #tpu.memory_space<hbm>>)
    return
  }
}

</mosaic_0001>

<sc_bundles>
// kernel: kernel.3.cloned.1.call-start
scs
__scs_entry_jumppad:
0x0: {  	(pc) =	sbr.rel $0x88, $3  }
0x1: {  	(tag) =	ssettag $0x0;
	lr =	simm.s32 $0x1  }
0x2: {  	[smem:$0x3F9F] =	sst lr;
	_ =	strace $0xD0000000  }
0x3: {  	_ = 	snop  }
0x4: {  	_ = 	snop  }
0x5: {  	_ = 	snop  }
0x6: {  	_ = 	snop  }
0x7: {  	_ = 	snop  }
__scs_overlays_trampoline_lowered:
0x8: {  	[smem:$0x3FAE] =	sst s0  }
0x9: {  	[smem:$0x3FAF] =	sst s1  }
0xa: {  	[smem:$0x3FB0] =	sst s2  }
0xb: {  	[smem:$0x3FB1] =	sst s3  }
0xc: {  	[smem:$0x3FB2] =	sst s4  }
0xd: {  	[smem:$0x3FB3] =	sst s5  }
0xe: {  	[smem:$0x3FB4] =	sst s6  }
0xf: {  	[smem:$0x3FB5] =	sst s7  }
0x10: {  	[smem:$0x3FB6] =	sst s8  }
0x11: {  	[smem:$0x3FB7] =	sst s9;
	s0 =	simm.s32 @!p0 $0x0  }
0x12: {  	s1 =	sld [smem:$0x3F9D];
	s0 =	simm.s32 @p0 $0x1  }
0x13: {  	[smem:$0x3FB8] =	sst s0;
	s0 =	simm.s32 @!p1 $0x0  }
0x14: {  	s2 =	sld [smem:$0x3F9C];
	s0 =	simm.s32 @p1 $0x1  }
0x15: {  	[smem:$0x3FB9] =	sst s0;
	s0 =	simm.s32 @!p2 $0x0  }
0x16: {  	s3 =	sld [smem:$0x3FDB];
	s0 =	simm.s32 @p2 $0x1  }
0x17: {  	s4 =	simm.s32 $0x1BF5;
	[smem:$0x3FBB] =	sst s0  }
0x18: {  	s0 =	sld [smem:$0x3F9E];
	_ =	swait.ge [sflag:s4], $0x0  }
0x19: {  	s7 =	sld [smem:$0x3F9F]  }
0x1a: {  	s8 =	sadd.s32 $0xFFFFE003, lr  }
0x1b: {  	s9 =	sadd.s32 $0xFFFFFEF7, lr;
	s5 =	simm.s32 $0xFFFFFFFF;
	p2 =	slt.u32 s8, $0xFFFFF086  }
0x1c: {  	p1 =	slt.u32 s9, $0xF7A;
	s5 =	simm.s32 @!p2 $0x0  }
0x1d: {  	s5 =	simm.s32 @p1 $0x1;
	p0 =	seq.s32 s7, s2  }
0x1e: {  	s7 =	smul.u32 @!p0 $0xF7A, s2;
	p2 =	seq.s32 @!p0 s5, $0x0  }
0x1f: {  	s9 =	smul.u32 $0xF7A, s1;
	s8 =	simm.s32 @!p0 $0x1BF5;
	p2 =	por !p2, p0  }
0x20: {  	[sflag:s8] =	ssyncset.s32 @!p0 $0xFFFFF086;
	s6 =	sadd.s32 @!p0 s3, s7;
	s7 =	simm.s32 @!p0 $0x108  }
0x21: {  	s3 =	sadd.s32 s3, s9;
	s6 =	sadd.s32 @!p0 $0x88, s6;
	s7 =	simm.s32 @p2 $0x1082  }
0x22: {  	[simem:s7], [sflag:s8] =	dma.local @!p0 [hbm:s6], $0xF7A  }
0x23: {  	s9 =	sor.u32 $0xD0000000, s2;
	s6 =	simm.s32 $0x108;
	_ =	swait.ge @!p0 [sflag:s8], $0x0  }
0x24: {  	s3 =	sadd.s32 $0x88, s3;
	s6 =	simm.s32 @!p1 $0x1082;
	[sflag:s4] =	ssyncset.s32 $0xFFFFF086  }
0x25: {  	[simem:s6], [sflag:s4] =	dma.local [hbm:s3], $0xF7A  }
0x26: {  	[smem:$0x3F9F] =	sst s1;
	(tag) =	ssettag s2;
	_ =	strace s9  }
0x27: {  	s1 =	sld [smem:$0x3FAF]  }
0x28: {  	s2 =	sld [smem:$0x3FB0]  }
0x29: {  	s4 =	sld [smem:$0x3FB2]  }
0x2a: {  	p0 =	seq.s32 s5, $0x0;
	s5 =	sld [smem:$0x3FB3]  }
0x2b: {  	s6 =	sld [smem:$0x3FB4]  }
0x2c: {  	s7 =	sld [smem:$0x3FB5]  }
0x2d: {  	s3 =	simm.s32 $0x108;
	s8 =	sld [smem:$0x3FB6]  }
0x2e: {  	s3 =	simm.s32 @!p0 $0x1082;
	s9 =	sld [smem:$0x3FB7]  }
0x2f: {  	lr =	sadd.s32 s0, s3;
	s0 =	sld [smem:$0x3FAE]  }
0x30: {  	s3 =	sld [smem:$0x3FB1]  }
0x31: {  	[smem:$0x3FBA] =	sst s10  }
0x32: {  	s10 =	sld [smem:$0x3FB8];
	_ =	sdelay $0x3  }
0x33: {  	p0 =	seq.s32 s10, $0x1;
	s10 =	sld [smem:$0x3FBA];
	_ =	sdelay $0x3  }
0x34: {  	[smem:$0x3FBA] =	sst s10  }
0x35: {  	s10 =	sld [smem:$0x3FB9];
	_ =	sdelay $0x3  }
0x36: {  	p1 =	seq.s32 s10, $0x1;
	s10 =	sld [smem:$0x3FBA];
	_ =	sdelay $0x3  }
0x37: {  	[smem:$0x3FBA] =	sst s10  }
0x38: {  	s10 =	sld [smem:$0x3FBB]  }
0x39: {  	_ = 	snop;
	(pc) =	sbr.ind lr, $3  }
0x3a: {  	_ = 	snop  }
0x3b: {  	_ = 	snop  }
0x3c: {  	p2 =	seq.s32 s10, $0x1;
	s10 =	sld [smem:$0x3FBA]  }
0x3d: {  	_ =	shalt  }
0x3e: {  	_ =	shalt  }
0x3f: {  	_ =	shalt  }
0x40: {  	_ =	shalt  }
0x41: {  	_ =	shalt  }
0x42: {  	_ =	shalt  }
0x43: {  	_ =	shalt  }
0x44: {  	_ =	shalt  }
0x45: {  	_ =	shalt  }
0x46: {  	_ =	shalt  }
0x47: {  	_ =	shalt  }
0x48: {  	_ =	shalt  }
0x49: {  	_ =	shalt  }
0x4a: {  	_ =	shalt  }
0x4b: {  	_ =	shalt  }
0x4c: {  	_ =	shalt  }
0x4d: {  	_ =	shalt  }
0x4e: {  	_ =	shalt  }
0x4f: {  	_ =	shalt  }
0x50: {  	_ =	shalt  }
0x51: {  	_ =	shalt  }
0x52: {  	_ =	shalt  }
0x53: {  	_ =	shalt  }
0x54: {  	_ =	shalt  }
0x55: {  	_ =	shalt  }
0x56: {  	_ =	shalt  }
0x57: {  	_ =	shalt  }
0x58: {  	_ =	shalt  }
0x59: {  	_ =	shalt  }
0x5a: {  	_ =	shalt  }
0x5b: {  	_ =	shalt  }
0x5c: {  	_ =	shalt  }
0x5d: {  	_ =	shalt  }
0x5e: {  	_ =	shalt  }
0x5f: {  	_ =	shalt  }
0x60: {  	_ =	shalt  }
0x61: {  	_ =	shalt  }
0x62: {  	_ =	shalt  }
0x63: {  	_ =	shalt  }
0x64: {  	_ =	shalt  }
0x65: {  	_ =	shalt  }
0x66: {  	_ =	shalt  }
0x67: {  	_ =	shalt  }
0x68: {  	_ =	shalt  }
0x69: {  	_ =	shalt  }
0x6a: {  	_ =	shalt  }
0x6b: {  	_ =	shalt  }
0x6c: {  	_ =	shalt  }
0x6d: {  	_ =	shalt  }
0x6e: {  	_ =	shalt  }
0x6f: {  	_ =	shalt  }
0x70: {  	_ =	shalt  }
0x71: {  	_ =	shalt  }
0x72: {  	_ =	shalt  }
0x73: {  	_ =	shalt  }
0x74: {  	_ =	shalt  }
0x75: {  	_ =	shalt  }
0x76: {  	_ =	shalt  }
0x77: {  	_ =	shalt  }
0x78: {  	_ =	shalt  }
0x79: {  	_ =	shalt  }
0x7a: {  	_ =	shalt  }
0x7b: {  	_ =	shalt  }
0x7c: {  	_ =	shalt  }
0x7d: {  	_ =	shalt  }
0x7e: {  	_ =	shalt  }
0x7f: {  	_ =	shalt  }
0x80: {  	_ =	shalt  }
0x81: {  	_ =	shalt  }
0x82: {  	_ =	shalt  }
0x83: {  	_ =	shalt  }
0x84: {  	_ =	shalt  }
0x85: {  	_ =	shalt  }
0x86: {  	_ =	shalt  }
0x87: {  	_ =	shalt  }
.Lfunc_end0:
.L_simem_size_0:
called_computation_lowered:
.L_overlay_start_0:
0x88: {  	s2 =	sld [smem:$0x3FD9]  }
0x89: {  	s3 =	sld [smem:$0x3FFE];
	_ =	sdelay $0x1  }
0x8a: {  	s1 =	srdreg.scid  }
0x8b: {  	s0 =	sand.u32 $0x1, s1  }
0x8c: {  	s18 =	sshll.u32 s0, $0xA;
	s2 =	sadd.s32 s3, s2  }
0x8d: {  	s2 =	sadd.s32 s2, s18  }
0x8e: {  	[smem:$0x3FC6] =	sst s2  }
0x8f: {  	_ = 	snop  }
0x90: {  	s2 =	sld [smem:$0x3FC9]  }
0x91: {  	s19 =	sld [smem:$0x3FC8]  }
0x92: {  	s4 =	sld [smem:$0x3FD0];
	(tm) =	ssettm $0x1  }
0x93: {  	s5 =	sld [smem:$0x3FFB];
	_ =	sdelay $0x3  }
0x94: {  	_ =	strace s5  }
0x95: {  	s5 =	sld [smem:$0x3FFC];
	_ =	sdelay $0x3  }
0x96: {  	_ =	strace s5  }
0x97: {  	s5 =	sld [smem:$0x3FFD];
	_ =	sdelay $0x3  }
0x98: {  	_ =	strace s5  }
0x99: {  	_ =	strace $0x8FFFFFFF  }
0x9a: {  	s20 =	sld [smem:$0x3FDB];
	_ =	sdelay $0x1  }
0x9b: {  	s6 =	simm.s32 $_scs_section_size  }
0x9c: {  	s7 =	simm.s32 $_size__tile_overlayer_lowered;
	s8 =	simm.s32 $_tile_overlayer_lowered  }
0x9d: {  	s23 =	simm.s32 $0x1BFF;
	s22 =	sshll.u32 s8, $0x1;
	s5 =	sadd.s32 s6, s20  }
0x9e: {  	s9 =	simm.s32 $0x0;
	s21 =	sshll.u32 s7, $0x1;
	s7 =	sadd.s32 s22, s5  }
0x9f: {  	[timem:s9], [sflag:s23] =	dma.local [hbm:s7], s21  }
0xa0: {  	_ =	swait.ge [sflag:s23], s21  }
0xa1: {  	s6 =	ssub.s32 $0x0, s21;
	[sflag:s23] =	ssyncset.done $0x0  }
0xa2: {  	[sflag:s23] =	ssyncadd.s32 s6;
	_ =	sdelay $0x1  }
0xa3: {  	s24 =	simm.s32 $0x1B8B  }
0xa4: {  	_ =	swait.ge [sflag:s24], $0x1  }
0xa5: {  	[sflag:s24] =	ssyncset.done $0x0  }
0xa6: {  	s25 =	simm.s32 $0x1B8E;
	[sflag:s24] =	ssyncadd.s32 $0xFFFFFFFF  }
0xa7: {  	s26 =	simm.s32 $execute0_lowered;
	[smem:$0x3FD2] =	sst s25  }
0xa8: {  	s6 =	sshll.u32 s26, $0x1;
	_ =	strace $0x80000046;
	[dreg:$0x1] =	wrdreg $0xFFFFFFFF  }
0xa9: {  	s28 =	simm.s32 $_size_execute0_lowered;
	s5 =	sadd.s32 s5, s6;
	[dreg:$0x0] =	wrdreg $0x0  }
0xaa: {  	s6 =	sshll.u32 s28, $0x1;
	[dreg:$0x2] =	wrdreg s5  }
0xab: {  	[dreg:$0x3] =	wrdreg s6  }
0xac: {  	[dreg:$0x4] =	wrdreg $0xC0  }
0xad: {  	_ =	task [dreg:s9], $0x5FFFF  }
0xae: {  	[dreg:$0x1] =	wrdreg $0xFFFFFFFF  }
0xaf: {  	[dreg:$0x0] =	wrdreg $0x60  }
0xb0: {  	[dreg:$0x2] =	wrdreg s2  }
0xb1: {  	[dreg:$0x3] =	wrdreg s19  }
0xb2: {  	[dreg:$0x4] =	wrdreg s4  }
0xb3: {  	[dreg:$0x5] =	wrdreg $0x9  }
0xb4: {  	_ =	task.clear_ibuf [dreg:s9], $0x6FFFF;
	_ =	strace $0x90000046  }
0xb5: {  	s29 =	simm.s32 $0x9;
	_ =	strace $0x80000048  }
0xb6: {  	_ =	swait.ge [sflag:s29], $0x1  }
0xb7: {  	[sflag:s29] =	ssyncadd.s32 $0xFFFFFFFF  }
0xb8: {  	_ =	strace $0x90000048  }
0xb9: {  	_ =	sfence  }
0xba: {  	s30 =	sld [smem:$0x0];
	_ =	sdelay $0x2  }
0xbb: {  	s31 =	sshll.u32 s1, $0xD;
	s1 =	sshrl.u32 s1, $0x2  }
0xbc: {  	s3 =	sand.u32 $0x4000, s31;
	s1 =	sadd.s32 s1, s30  }
0xbd: {  	s0 =	sor.u32 s3, s0;
	s1 =	sshll.u32 s1, $0x11  }
0xbe: {  	s0 =	sor.u32 s1, s0  }
0xbf: {  	s0 =	sadd.s32 $0x8F2B, s0  }
0xc0: {  	[sflag:s0] =	ssyncadd.remote.s32 $0x1  }
0xc1: {  	_ =	sfence.sel $0xFFFF  }
0xc2: {  	[dreg:$0x0] =	wrdreg $0xFFFFFFFF;
	(pc) =	sbr.abs _section_cstart, $3  }
0xc3: {  	[dreg:$0x1] =	wrdreg $0xFFFFFFFF  }
0xc4: {  	_ =	task.clear_ibuf [dreg:s9], $0x2FFFF;
	_ =	strace $0x9FFFFFFF  }
0xc5: {  	(tm) =	ssettm $0x7FFFFFFF  }
tec
execute0_lowered:
.L_overlay_start_1:
0x0: {  	(tag) =	ssettag $0x1  }
0x1: {  	s4 =	rddreg [dreg:$0x0]  }
0x2: {  	s3 =	rddreg [dreg:$0x1]  }
0x3: {  	s1 =	srdreg.scid;
	s0 =	stileid.u32  }
0x4: {  	s11 =	rddreg [dreg:$0x2];
	s23 =	sand.u32 $0x1, s1;
	s5 =	sshll.u32 s0, $0x1  }
0x5: {  	s2 =	simm.s32 $0x0;
	s1 =	rddreg [dreg:$0x3];
	s5 =	sor.u32 s23, s5  }
0x6: {  	[smem:$0x7FF] =	sst s2;
	s7 =	sshll.u32 s5, $0x9  }
0x7: {  	_ =	strace $0x80000047;
	s12 =	sshll.u32 s5, $0xE;
	s3 =	sadd.s32 s3, s7  }
0x8: {  	[tilespmem:s2], [sflag:$0x1] =	stream.linear.gather [hbm4b:s3+s2], $0x1000, $0x38;
	[tilespmem:$0x19000] =	vst v63  }
0x9: {  	s6 =	simm.s32 $0x1000;
	s5 =	simm.s32 $0x1;
	s4 =	sadd.s32 s4, s12  }
0xa: {  	[tilespmem:s6], [sflag:$0x2] =	stream.linear.gather [hbm4b:s4+s2], $0x8000, $0x38;
	[tilespmem:$0x19000] =	vst v63  }
0xb: {  	_ =	swait.ge [sflag:s5], $0x1000  }
0xc: {  	[sflag:s5] =	ssyncset.done $0x0  }
0xd: {  	s7 =	sadd.s32 s11, s7;
	[sflag:s5] =	ssyncadd.s32 $0xFFFFF000  }
0xe: {  	[hbm4b:s7+s2] =	stream.linear.scatter [tilespmem:s2], [sflag:$0x1], $0x1000, $0x38;
	[tilespmem:$0x19000] =	vst v63  }
0xf: {  	s9 =	simm.s32 $0x9000;
	s10 =	simm.s32 $0x2;
	s8 =	sadd.s32 $0x1000, s4  }
0x10: {  	[tilespmem:s9], [sflag:$0x3] =	stream.linear.gather [hbm4b:s8+s2], $0x8000, $0x38;
	[tilespmem:$0x19000] =	vst v63  }
0x11: {  	_ =	swait.ge [sflag:s10], $0x8000  }
0x12: {  	s20 =	sadd.s32 s11, s12;
	[sflag:s10] =	ssyncset.done $0x0  }
0x13: {  	s11 =	sadd.s32 $0x4000, s20;
	[sflag:s10] =	ssyncadd.s32 $0xFFFF8000  }
0x14: {  	[hbm4b:s11+s2] =	stream.linear.scatter [tilespmem:s6], [sflag:$0x5], $0x8000, $0x38;
	[tilespmem:$0x19000] =	vst v63  }
0x15: {  	s13 =	simm.s32 $0x11000;
	s14 =	simm.s32 $0x3;
	s12 =	sadd.s32 $0x2000, s4  }
0x16: {  	[tilespmem:s13], [sflag:$0x4] =	stream.linear.gather [hbm4b:s12+s2], $0x8000, $0x38;
	[tilespmem:$0x19000] =	vst v63  }
0x17: {  	_ =	swait.ge [sflag:s14], $0x8000  }
0x18: {  	[sflag:s14] =	ssyncset.done $0x0  }
0x19: {  	s16 =	simm.s32 $0x5;
	s15 =	sadd.s32 $0x5000, s20;
	[sflag:s14] =	ssyncadd.s32 $0xFFFF8000  }
0x1a: {  	[hbm4b:s15+s2] =	stream.linear.scatter [tilespmem:s9], [sflag:$0x6], $0x8000, $0x38;
	[tilespmem:$0x19000] =	vst v63  }
0x1b: {  	_ =	swait.ge [sflag:s16], $0x8000  }
0x1c: {  	[sflag:s16] =	ssyncset.done $0x0  }
0x1d: {  	s18 =	simm.s32 $0x4;
	s17 =	sadd.s32 $0x3000, s4;
	[sflag:s16] =	ssyncadd.s32 $0xFFFF8000  }
0x1e: {  	[tilespmem:s6], [sflag:$0x2] =	stream.linear.gather [hbm4b:s17+s2], $0x8000, $0x38;
	[tilespmem:$0x19000] =	vst v63  }
0x1f: {  	_ =	swait.ge [sflag:s18], $0x8000  }
0x20: {  	[sflag:s18] =	ssyncset.done $0x0  }
0x21: {  	s19 =	sadd.s32 $0x6000, s20;
	[sflag:s18] =	ssyncadd.s32 $0xFFFF8000  }
0x22: {  	[hbm4b:s19+s2] =	stream.linear.scatter [tilespmem:s13], [sflag:$0x7], $0x8000, $0x38;
	[tilespmem:$0x19000] =	vst v63  }
0x23: {  	_ =	swait.ge [sflag:s10], $0x8000  }
0x24: {  	[sflag:s10] =	ssyncset.done $0x0  }
0x25: {  	s21 =	simm.s32 $0x6;
	s20 =	sadd.s32 $0x7000, s20;
	[sflag:s10] =	ssyncadd.s32 $0xFFFF8000  }
0x26: {  	[hbm4b:s20+s2] =	stream.linear.scatter [tilespmem:s6], [sflag:$0x5], $0x8000, $0x38;
	[tilespmem:$0x19000] =	vst v63  }
0x27: {  	_ =	swait.ge [sflag:s21], $0x8000  }
0x28: {  	s23 =	ssub.s32 $0x2, s23;
	[sflag:s21] =	ssyncset.done $0x0  }
0x29: {  	s22 =	simm.s32 $0x7;
	s24 =	sshrl.u32 s23, $0x1;
	[sflag:s21] =	ssyncadd.s32 $0xFFFF8000  }
0x2a: {  	s23 =	ssub.s32 s23, s24;
	_ =	swait.ge [sflag:s22], $0x8000  }
0x2b: {  	s23 =	smax.u32 s23, $0x1;
	[sflag:s22] =	ssyncset.done $0x0  }
0x2c: {  	p0 =	sne.s32 s23, $0x1;
	[sflag:s22] =	ssyncadd.s32 $0xFFFF8000  }
.Ltmp0:
0x2d: {  	_ =	swait.ge [sflag:s16], $0x8000;
	(pc) =	sbr.rel @!p0 .LBB2_2-.Ltmp0, $4  }
0x2e: {  	[sflag:s16] =	ssyncset.done $0x0  }
0x2f: {  	[sflag:s16] =	ssyncadd.s32 $0xFFFF8000  }
0x30: {  	_ =	swait.ge [sflag:s5], $0x1000  }
0x31: {  	s23 =	sadd.s32 $0xFFFFFFFF, s23;
	[sflag:s5] =	ssyncset.done $0x0  }
.LBB2_1:
0x32: {  	p0 =	sne.s32 s23, $0x1;
	s23 =	sadd.s32 $0xFFFFFFFF, s23;
	[sflag:s5] =	ssyncadd.s32 $0xFFFFF000  }
0x33: {  	[tilespmem:s2], [sflag:$0x1] =	stream.linear.gather [hbm4b:s3+s2], $0x1000, $0x38;
	[tilespmem:$0x19000] =	vst v63  }
0x34: {  	_ = 	snop  }
0x35: {  	[tilespmem:s6], [sflag:$0x2] =	stream.linear.gather [hbm4b:s4+s2], $0x8000, $0x38;
	[tilespmem:$0x19000] =	vst v63  }
0x36: {  	_ =	swait.ge [sflag:s5], $0x1000  }
0x37: {  	[sflag:s5] =	ssyncset.done $0x0  }
0x38: {  	[sflag:s5] =	ssyncadd.s32 $0xFFFFF000  }
0x39: {  	[hbm4b:s7+s2] =	stream.linear.scatter [tilespmem:s2], [sflag:$0x1], $0x1000, $0x38;
	[tilespmem:$0x19000] =	vst v63  }
0x3a: {  	_ = 	snop  }
0x3b: {  	[tilespmem:s9], [sflag:$0x3] =	stream.linear.gather [hbm4b:s8+s2], $0x8000, $0x38;
	[tilespmem:$0x19000] =	vst v63  }
0x3c: {  	_ =	swait.ge [sflag:s10], $0x8000  }
0x3d: {  	[sflag:s10] =	ssyncset.done $0x0  }
0x3e: {  	[sflag:s10] =	ssyncadd.s32 $0xFFFF8000  }
0x3f: {  	[hbm4b:s11+s2] =	stream.linear.scatter [tilespmem:s6], [sflag:$0x5], $0x8000, $0x38;
	[tilespmem:$0x19000] =	vst v63  }
0x40: {  	_ = 	snop  }
0x41: {  	[tilespmem:s13], [sflag:$0x4] =	stream.linear.gather [hbm4b:s12+s2], $0x8000, $0x38;
	[tilespmem:$0x19000] =	vst v63  }
0x42: {  	_ =	swait.ge [sflag:s14], $0x8000  }
0x43: {  	[sflag:s14] =	ssyncset.done $0x0  }
0x44: {  	[sflag:s14] =	ssyncadd.s32 $0xFFFF8000  }
0x45: {  	[hbm4b:s15+s2] =	stream.linear.scatter [tilespmem:s9], [sflag:$0x6], $0x8000, $0x38;
	[tilespmem:$0x19000] =	vst v63  }
0x46: {  	_ =	swait.ge [sflag:s16], $0x8000  }
0x47: {  	[sflag:s16] =	ssyncset.done $0x0  }
0x48: {  	[sflag:s16] =	ssyncadd.s32 $0xFFFF8000  }
0x49: {  	[tilespmem:s6], [sflag:$0x2] =	stream.linear.gather [hbm4b:s17+s2], $0x8000, $0x38;
	[tilespmem:$0x19000] =	vst v63  }
0x4a: {  	_ =	swait.ge [sflag:s18], $0x8000  }
0x4b: {  	[sflag:s18] =	ssyncset.done $0x0  }
0x4c: {  	[sflag:s18] =	ssyncadd.s32 $0xFFFF8000  }
0x4d: {  	[hbm4b:s19+s2] =	stream.linear.scatter [tilespmem:s13], [sflag:$0x7], $0x8000, $0x38;
	[tilespmem:$0x19000] =	vst v63  }
0x4e: {  	_ =	swait.ge [sflag:s10], $0x8000  }
0x4f: {  	[sflag:s10] =	ssyncset.done $0x0  }
0x50: {  	[sflag:s10] =	ssyncadd.s32 $0xFFFF8000  }
0x51: {  	[hbm4b:s20+s2] =	stream.linear.scatter [tilespmem:s6], [sflag:$0x5], $0x8000, $0x38;
	[tilespmem:$0x19000] =	vst v63  }
0x52: {  	_ =	swait.ge [sflag:s21], $0x8000  }
0x53: {  	[sflag:s21] =	ssyncset.done $0x0  }
0x54: {  	[sflag:s21] =	ssyncadd.s32 $0xFFFF8000  }
0x55: {  	_ =	swait.ge [sflag:s22], $0x8000  }
0x56: {  	[sflag:s22] =	ssyncset.done $0x0  }
0x57: {  	[sflag:s22] =	ssyncadd.s32 $0xFFFF8000  }
.Ltmp1:
0x58: {  	_ =	swait.ge [sflag:s16], $0x8000;
	(pc) =	sbr.rel @p0 .LBB2_1-.Ltmp1, $4  }
0x59: {  	[sflag:s16] =	ssyncset.done $0x0  }
0x5a: {  	[sflag:s16] =	ssyncadd.s32 $0xFFFF8000  }
0x5b: {  	_ =	swait.ge [sflag:s5], $0x1000  }
0x5c: {  	[sflag:s5] =	ssyncset.done $0x0  }
.LBB2_2:
0x5d: {  	[sflag:s5] =	ssyncadd.s32 $0xFFFFF000  }
0x5e: {  	_ =	sfence.sel $0x180000  }
0x5f: {  	[bflag:$0x0] =	sbarrier.arrive $0xFFFF  }
0x60: {  	p0 =	sne.s32 s0, $0x0;
	_ =	strace $0x90000047  }
0x61: {  	s0 =	sadd.s32 @!p0 $0x100000, s1;
	[bflag:$0x2] =	sbarrier.arrive $0xFFFF  }
0x62: {  	[sflag:s0] =	ssyncadd.tile.s32 @!p0 $0x1;
	_ =	shalt  }
.Lfunc_end2:
_tile_overlayer_lowered:
.L_overlay_start_2:
0x63: {  	(tag) =	ssettag $0x2  }
0x64: {  	s0 =	rddreg [dreg:$0x0];
	s2 =	stileid.u32  }
0x65: {  	s1 =	rddreg [dreg:$0x1];
	p0 =	sne.s32 s2, $0x0  }
0x66: {  	s3 =	rddreg [dreg:$0x2];
	[bflag:$0x3] =	sbarrier.arrive $0xFFFF;
	s2 =	simm.s32 @!p0 $0x1C08  }
0x67: {  	[timem:s3], [sflag:s2] =	dma.local @!p0 [hbm:s0], s1  }
0x68: {  	s0 =	simm.s32 @!p0 $0x8  }
0x69: {  	_ =	swait.ge @!p0 [sflag:s0], s1  }
0x6a: {  	s1 =	ssub.s32 @!p0 $0x0, s1;
	[sflag:s0] =	ssyncset.done @!p0 $0x0  }
0x6b: {  	[sflag:s0] =	ssyncadd.s32 @!p0 s1  }
0x6c: {  	[bflag:$0x3] =	sbarrier.arrive $0xFFFF  }
0x6d: {  	_ =	shalt  }

</sc_bundles>
